<compile_context>
chip_gen: v7x
topology: tpu7x:2x2x1
jax: 0.10.2.dev20260603
libtpu: 0.0.44.dev20260713+nightly
codegen_flags: <defaults>
</compile_context>

<pallas_src>
import jax
import jax.numpy as jnp
from jax.experimental import pallas as pl

_B, _C_IN, _C_OUT, _H, _W = 8, 16, 16, 512, 512
_TILE = 32768


def _spconv_kern(x_ref, wcat_ref, o_ref):
    xb = x_ref[0]
    ones8 = jnp.ones((8, _C_IN), dtype=jnp.bfloat16)
    a = jnp.abs(xb).astype(jnp.bfloat16)
    s = jax.lax.dot_general(
        ones8, a, (((1,), (0,)), ((), ())), preferred_element_type=jnp.float32
    )
    maskf = jnp.where(s > 0, 1.0, 0.0).astype(jnp.float32)
    aug = jnp.concatenate([xb, maskf], axis=0)
    out = jax.lax.dot_general(
        wcat_ref[...], aug, (((1,), (0,)), ((), ())),
        preferred_element_type=jnp.float32,
    )
    o_ref[0] = out


def kernel(x, W, b):
    HW = _H * _W
    xr = x.reshape(_B, _C_IN, HW)
    wcat = jnp.concatenate(
        [W, b.reshape(_C_OUT, 1), jnp.zeros((_C_OUT, 7), jnp.float32)], axis=1
    )
    out = pl.pallas_call(
        _spconv_kern,
        grid=(_B, HW // _TILE),
        in_specs=[
            pl.BlockSpec((1, _C_IN, _TILE), lambda i, j: (i, 0, j)),
            pl.BlockSpec((_C_OUT, _C_IN + 8), lambda i, j: (0, 0)),
        ],
        out_specs=pl.BlockSpec((1, _C_OUT, _TILE), lambda i, j: (i, 0, j)),
        out_shape=jax.ShapeDtypeStruct((_B, _C_OUT, HW), jnp.float32),
    )(xr, wcat)
    return out.reshape(_B, _C_OUT, _H, _W)

# --- scband reference (transcript-rebuilt; emitter-appended) ---
"""Pipeline reference for scband-spconv-model-24369644438240 (READ-ONLY COPY).

The authoritative reference and input builder live on the scoring server;
editing this copy changes nothing except your own understanding.
"""

import jax, jax.numpy as jnp
import numpy as np

B, C_IN, C_OUT, H, W_DIM = 8, 16, 16, 512, 512

def setup_inputs(seed: int = 0) -> dict:
    key = jax.random.key(seed)
    k1, k2, k3 = jax.random.split(key, 3)
    x = jax.random.normal(k1, (B, C_IN, H, W_DIM), dtype=jnp.float32)
    # SparseConv2d(in, out, kernel_size=1) weight [out, in] and bias [out]
    W = jax.random.normal(k2, (C_OUT, C_IN), dtype=jnp.float32) * 0.1
    b = jax.random.normal(k3, (C_OUT,), dtype=jnp.float32) * 0.1
    return {"x": x, "W": W, "b": b}

def reference(x, W, b):
    # x: [B, C, H, W] -> permute to NHWC (matches x.permute(0, 2, 3, 1))
    nhwc = jnp.transpose(x, (0, 2, 3, 1))
    # SparseConvTensor.from_dense: a spatial site is active iff any channel is nonzero
    mask = jnp.any(nhwc != 0, axis=-1)  # [B, H, W]
    # kernel-size-1 sparse conv == per-site linear transform at active sites
    out = jnp.einsum('bhwc,oc->bhwo', nhwc, W) + b
    # inactive sites remain zero in output.dense()
    out = out * mask[..., None].astype(out.dtype)
    # .dense() returns NCHW
    return jnp.transpose(out, (0, 3, 1, 2))

if __name__ == "__main__":
    import jax
    _d = setup_inputs()
    print(jax.jit(kernel)(*tuple(_d.values())))

</pallas_src>

<mosaic_0001>
module attributes {stable_mosaic.version = 14 : i64} {
  func.func @_spconv_kern(%arg0: i32, %arg1: i32, %arg2: memref<1x16x32768xf32, #tpu.memory_space<vmem>>, %arg3: memref<16x24xf32, #tpu.memory_space<vmem>>, %arg4: memref<1x16x32768xf32, #tpu.memory_space<vmem>>) attributes {dimension_semantics = [#tpu.dimension_semantics<arbitrary>, #tpu.dimension_semantics<arbitrary>], iteration_bounds = array<i64: 8, 8>, scalar_prefetch = 0 : i64, scratch_operands = 0 : i64, tpu.core_type = #tpu.core_type<tc>, window_params = [{transform_indices = @transform_0, window_bounds = array<i64: 1, 16, 32768>}, {pipeline_mode = #tpu.pipeline_mode<synchronous>, transform_indices = @transform_1, window_bounds = array<i64: 16, 24>}, {transform_indices = @transform_2, window_bounds = array<i64: 1, 16, 32768>}]} {
    %get3A = arith.constant 0 : index
    %get3A_0 = arith.constant 0 : index
    %get3A_1 = arith.constant 0 : index
    %get3A_2 = vector.load %arg2[%get3A, %get3A_0, %get3A_1] : memref<1x16x32768xf32, #tpu.memory_space<vmem>>, vector<1x16x32768xf32>
    %get3A_3 = vector.shape_cast %get3A_2 : vector<1x16x32768xf32> to vector<16x32768xf32>
    %broadcast_in_dim3A = arith.constant 1.000000e+00 : bf16
    %broadcast_in_dim3A_4 = vector.broadcast %broadcast_in_dim3A : bf16 to vector<8x16xbf16>
    %abs3A = math.absf %get3A_3 : vector<16x32768xf32>
    %convert_element_type3A = arith.truncf %abs3A : vector<16x32768xf32> to vector<16x32768xbf16>
    %dot_general3A = arith.constant dense<0.000000e+00> : vector<8x32768xf32>
    %dot_general3A_5 = tpu.matmul %broadcast_in_dim3A_4, %convert_element_type3A, %dot_general3A {dimension_numbers = #tpu.dot_dimension_numbers<[1], [0], [0], [1], [0, 0, 1, 1], [], []>, transpose_lhs_hint = false} : vector<8x16xbf16>, vector<16x32768xbf16>, vector<8x32768xf32> -> vector<8x32768xf32>
    %gt3A = arith.constant 0.000000e+00 : f32
    %gt3A_6 = vector.broadcast %gt3A : f32 to vector<8x32768xf32>
    %gt3A_7 = arith.cmpf ogt, %dot_general3A_5, %gt3A_6 : vector<8x32768xf32>
    %jit3A = arith.constant 1.000000e+00 : f32
    %jit3A_8 = arith.constant 0.000000e+00 : f32
    %broadcast_in_dim3A_9 = vector.broadcast %jit3A : f32 to vector<8x32768xf32>
    %broadcast_in_dim3A_10 = vector.broadcast %jit3A_8 : f32 to vector<8x32768xf32>
    %select_n3A = arith.select %gt3A_7, %broadcast_in_dim3A_9, %broadcast_in_dim3A_10 : vector<8x32768xi1>, vector<8x32768xf32>
    %concatenate3A = tpu.concatenate %get3A_3, %select_n3A in 0 : vector<16x32768xf32>, vector<8x32768xf32> -> vector<24x32768xf32>
    %get3A_11 = arith.constant 0 : index
    %get3A_12 = arith.constant 0 : index
    %get3A_13 = vector.load %arg3[%get3A_11, %get3A_12] : memref<16x24xf32, #tpu.memory_space<vmem>>, vector<16x24xf32>
    %dot_general3A_14 = arith.constant dense<0.000000e+00> : vector<16x32768xf32>
    %dot_general3A_15 = tpu.matmul %get3A_13, %concatenate3A, %dot_general3A_14 {dimension_numbers = #tpu.dot_dimension_numbers<[1], [0], [0], [1], [0, 0, 1, 1], [], []>, transpose_lhs_hint = false} : vector<16x24xf32>, vector<24x32768xf32>, vector<16x32768xf32> -> vector<16x32768xf32>
    %swap3A = arith.constant 0 : index
    %swap3A_16 = arith.constant 0 : index
    %swap3A_17 = arith.constant 0 : index
    %swap3A_18 = vector.load %arg4[%swap3A, %swap3A_16, %swap3A_17] : memref<1x16x32768xf32, #tpu.memory_space<vmem>>, vector<1x16x32768xf32>
    %swap3A_19 = vector.shape_cast %swap3A_18 : vector<1x16x32768xf32> to vector<16x32768xf32>
    %swap3A_20 = vector.shape_cast %dot_general3A_15 : vector<16x32768xf32> to vector<1x16x32768xf32>
    tpu.vector_store %arg4[%swap3A, %swap3A_16, %swap3A_17], %swap3A_20 {strides = array<i32>} : memref<1x16x32768xf32, #tpu.memory_space<vmem>>, vector<1x16x32768xf32>,
    return
  }
  func.func @transform_0(%arg0: i32, %arg1: i32) -> (i32, i32, i32) {
    %c0_i32 = arith.constant 0 : i32
    %c0_i32_0 = arith.constant 0 : i32
    return %arg0, %c0_i32, %arg1 : i32, i32, i32
  }
  func.func @transform_1(%arg0: i32, %arg1: i32) -> (i32, i32) {
    %c0_i32 = arith.constant 0 : i32
    %c0_i32_0 = arith.constant 0 : i32
    %c0_i32_1 = arith.constant 0 : i32
    return %c0_i32, %c0_i32_0 : i32, i32
  }
  func.func @transform_2(%arg0: i32, %arg1: i32) -> (i32, i32, i32) {
    %c0_i32 = arith.constant 0 : i32
    %c0_i32_0 = arith.constant 0 : i32
    return %arg0, %c0_i32, %arg1 : i32, i32, i32
  }
}

</mosaic_0001>

<sc_bundles>
// kernel: sparse-core-data-format-call.cloned.1.call-start
scs
called_computation_lowered:
.L_overlay_start_0:
0x0: {  	s2 =	sld [smem:$0x3FD9]  }
0x1: {  	s3 =	sld [smem:$0x3FFE];
	_ =	sdelay $0x1  }
0x2: {  	s1 =	srdreg.scid  }
0x3: {  	s0 =	sand.u32 $0x1, s1  }
0x4: {  	s18 =	sshll.u32 s0, $0xA;
	s2 =	sadd.s32 s3, s2  }
0x5: {  	s2 =	sadd.s32 s2, s18  }
0x6: {  	[smem:$0x3FC5] =	sst s2  }
0x7: {  	_ = 	snop  }
0x8: {  	s2 =	sld [smem:$0x3FD0];
	(tm) =	ssettm $0x1  }
0x9: {  	s19 =	sld [smem:$0x3FFB];
	_ =	sdelay $0x3  }
0xa: {  	_ =	strace s19  }
0xb: {  	s3 =	sld [smem:$0x3FFC];
	_ =	sdelay $0x3  }
0xc: {  	_ =	strace s3  }
0xd: {  	s3 =	sld [smem:$0x3FFD];
	_ =	sdelay $0x3  }
0xe: {  	_ =	strace s3  }
0xf: {  	_ =	strace $0x8FFFFFFF  }
0x10: {  	s20 =	sld [smem:$0x3FDB];
	_ =	sdelay $0x1  }
0x11: {  	s4 =	simm.s32 $_scs_section_size  }
0x12: {  	s5 =	simm.s32 $_size__tile_overlayer_lowered;
	s6 =	simm.s32 $_tile_overlayer_lowered  }
0x13: {  	s23 =	simm.s32 $0x1BFF;
	s22 =	sshll.u32 s6, $0x1;
	s3 =	sadd.s32 s4, s20  }
0x14: {  	s7 =	simm.s32 $0x0;
	s21 =	sshll.u32 s5, $0x1;
	s5 =	sadd.s32 s22, s3  }
0x15: {  	[timem:s7], [sflag:s23] =	dma.local [hbm:s5], s21  }
0x16: {  	_ =	swait.ge [sflag:s23], s21  }
0x17: {  	s4 =	ssub.s32 $0x0, s21;
	[sflag:s23] =	ssyncset.done $0x0  }
0x18: {  	[sflag:s23] =	ssyncadd.s32 s4;
	_ =	sdelay $0x1  }
0x19: {  	s24 =	simm.s32 $0x1B8B  }
0x1a: {  	_ =	swait.ge [sflag:s24], $0x1  }
0x1b: {  	[sflag:s24] =	ssyncset.done $0x0  }
0x1c: {  	s26 =	simm.s32 $0x1B8E;
	s25 =	sld [smem:$0x3FFE];
	[sflag:s24] =	ssyncadd.s32 $0xFFFFFFFF  }
0x1d: {  	s27 =	simm.s32 $execute0_lowered;
	[smem:$0x3FD2] =	sst s26  }
0x1e: {  	s5 =	sshll.u32 s27, $0x1;
	_ =	strace $0x80000046;
	[dreg:$0x1] =	wrdreg $0xFFFFFFFF  }
0x1f: {  	s28 =	simm.s32 $_size_execute0_lowered;
	s3 =	sadd.s32 s3, s5;
	[dreg:$0x0] =	wrdreg $0x0  }
0x20: {  	s5 =	sshll.u32 s28, $0x1;
	[dreg:$0x2] =	wrdreg s3  }
0x21: {  	[dreg:$0x3] =	wrdreg s5  }
0x22: {  	[dreg:$0x4] =	wrdreg $0xC0  }
0x23: {  	_ =	task [dreg:s7], $0x5FFFF  }
0x24: {  	[dreg:$0x1] =	wrdreg $0xFFFFFFFF  }
0x25: {  	[dreg:$0x0] =	wrdreg $0x60  }
0x26: {  	[dreg:$0x2] =	wrdreg s25  }
0x27: {  	[dreg:$0x3] =	wrdreg s2  }
0x28: {  	[dreg:$0x4] =	wrdreg $0x9  }
0x29: {  	_ =	task.clear_ibuf [dreg:s7], $0x5FFFF;
	_ =	strace $0x90000046  }
0x2a: {  	s29 =	simm.s32 $0x9;
	_ =	strace $0x80000048  }
0x2b: {  	_ =	swait.ge [sflag:s29], $0x1  }
0x2c: {  	[sflag:s29] =	ssyncadd.s32 $0xFFFFFFFF  }
0x2d: {  	_ =	strace $0x90000048  }
0x2e: {  	_ =	sfence  }
0x2f: {  	s30 =	sld [smem:$0x0];
	_ =	sdelay $0x2  }
0x30: {  	s31 =	sshll.u32 s1, $0xD;
	s1 =	sshrl.u32 s1, $0x2  }
0x31: {  	s3 =	sand.u32 $0x4000, s31;
	s1 =	sadd.s32 s1, s30  }
0x32: {  	s0 =	sor.u32 s3, s0;
	s1 =	sshll.u32 s1, $0x11  }
0x33: {  	s0 =	sor.u32 s1, s0  }
0x34: {  	s0 =	sadd.s32 $0x8F2B, s0  }
0x35: {  	[sflag:s0] =	ssyncadd.remote.s32 $0x1  }
0x36: {  	_ =	sfence.sel $0xFFFF  }
0x37: {  	[dreg:$0x0] =	wrdreg $0xFFFFFFFF;
	(pc) =	sbr.abs _section_cstart, $3  }
0x38: {  	[dreg:$0x1] =	wrdreg $0xFFFFFFFF  }
0x39: {  	_ =	task.clear_ibuf [dreg:s7], $0x2FFFF;
	_ =	strace $0x9FFFFFFF  }
0x3a: {  	(tm) =	ssettm $0x7FFFFFFF  }
0x3b: {  	_ =	shalt  }
tec
execute0_lowered:
.L_overlay_start_1:
0x0: {  	(tag) =	ssettag $0x1  }
0x1: {  	s0 =	rddreg [dreg:$0x0];
	s2 =	srdreg.scid  }
0x2: {  	s1 =	rddreg [dreg:$0x1];
	_ =	strace $0x80000047;
	s4 =	simm.s32 $0x1  }
0x3: {  	s6 =	simm.s32 $0x2;
	s15 =	simm.s32 $0x0;
	s8 =	simm.s32 $0x40000  }
0x4: {  	s9 =	simm.s32 $0x0;
	s16 =	simm.s32 $0x0;
	s18 =	simm.s32 $0x0  }
0x5: {  	s17 =	simm.s32 $0x0;
	s10 =	simm.s32 $0x0;
	s2 =	sshll.u32 s2, $0x3  }
0x6: {  	s11 =	simm.s32 $0x0;
	s13 =	stileid.u32;
	s2 =	sand.u32 $0x8, s2  }
.Ltmp0:
0x7: {  	s14 =	simm.s32 $0x0;
	s3 =	ssub.s32 $0x200, s2;
	(pc) =	sbr.rel .LBB1_1-.Ltmp0, $4  }
0x8: {  	s24 =	simm.s32 $0x0;
	s5 =	sadd.s32 $0x600, s0;
	s31 =	sshrl.u32 s3, $0x3  }
0x9: {  	[sflag:s4] =	ssyncpa.u1 $0x0;
	s7 =	sshrl.u32 s3, $0x4;
	s0 =	sand.u32 $0x1, s31  }
0xa: {  	[sflag:s6] =	ssyncpa.u1 $0x0;
	s12 =	smov.u32 s2;
	s0 =	sadd.s32 s7, s0  }
0xb: {  	s3 =	stileid.u32;
	s6 =	sshll.u32 s0, $0x1;
	s7 =	sshllo.u32 s0, $0x1  }
.LBB1_7:
0xc: {  	s0 =	sadd.s32 $0x100, s10  }
0xd: {  	s15 =	sadd.s32 $0x8, s11;
	s19 =	smov.u32 s11;
	p1 =	sgt.s32 s0, $0x1FF  }
0xe: {  	s19 =	smov.u32 @p1 s15  }
0xf: {  	s20 =	smov.u32 s12;
	s15 =	sadd.s32 $0x10, s12;
	p2 =	sgt.s32 s19, $0x7  }
0x10: {  	s20 =	smov.u32 @p2 s15  }
0x11: {  	s21 =	smov.u32 s13;
	s15 =	sadd.s32 $0x10, s13;
	p3 =	sgt.s32 s20, $0x1FF  }
0x12: {  	p0 =	slt.u32 s14, $0x2;
	s21 =	smov.u32 @p3 s15  }
0x13: {  	s16 =	smov.u32 s11;
	s0 =	simm.s32 @p1 $0x0;
	p1 =	sgt.s32 s21, $0xF  }
0x14: {  	s22 =	simm.s32 @!p0 $0x2;
	s21 =	smov.u32 @p1 s3;
	p1 =	sne.s32 s14, s7  }
.Ltmp1:
0x15: {  	s18 =	smov.u32 s12;
	_ =	swait.ge @!p0 [sflag:s22], $0x4000;
	(pc) =	sbr.rel @!p1 .LBB1_8-.Ltmp1, $4  }
0x16: {  	s17 =	smov.u32 s13;
	[sflag:s22] =	ssyncset.done @!p0 $0x0;
	s19 =	simm.s32 @p2 $0x0  }
0x17: {  	s9 =	sadd.s32 $0x4000, s9;
	[sflag:s22] =	ssyncadd.s32 @!p0 $0xFFFFC000;
	s11 =	smov.u32 s19  }
0x18: {  	s20 =	smov.u32 @p3 s2;
	s15 =	smov.u32 s10;
	s10 =	smov.u32 s0  }
0x19: {  	s12 =	smov.u32 s20;
	s14 =	sadd.s32 $0x1, s14;
	s13 =	smov.u32 s21  }
.LBB1_1:
0x1a: {  	p0 =	sge.u32 s14, s6  }
0x1b: {  	s31 =	sadd.s32 $0xFFFFFFFF, s14;
	s0 =	sxor.u32 @!p0 $0xFFFFFFFF, s14;
	s19 =	sshll.u32 @!p0 s10, $0x3  }
0x1c: {  	s20 =	sshll.u32 @!p0 s11, $0x7;
	s21 =	sand.u32 @!p0 $0x78, s10;
	s22 =	sshll.u32 @!p0 s13, $0x12  }
0x1d: {  	s23 =	sshll.u32 @!p0 s12, $0x9;
	s0 =	sshll.u32 @!p0 s0, $0xE;
	s20 =	sand.u32 @!p0 $0x380, s20  }
0x1e: {  	s19 =	sand.u32 @!p0 $0xC00, s19;
	s0 =	sand.u32 @!p0 $0x4000, s0;
	s20 =	sor.u32 @!p0 s21, s20  }
0x1f: {  	s21 =	sand.u32 @!p0 $0x7, s10;
	s19 =	sor.u32 @!p0 s19, s20;
	s20 =	sadd.s32 @!p0 s5, s22  }
0x20: {  	s21 =	sshll.u32 @!p0 s21, $0x12;
	s19 =	sshrl.u32 @!p0 s19, $0x3;
	s20 =	sadd.s32 @!p0 s23, s20  }
0x21: {  	s19 =	sadd.s32 @!p0 s19, s20;
	s20 =	sor.u32 @!p0 $0x800, s21;
	s21 =	simm.s32 @!p0 $0x1000  }
0x22: {  	[tilespmem:s0], [sflag:$0x1] =	stream.strided.gather @!p0 [hbm4b:s19+s20], $0x4000, s21, s20, $0x38;
	[tilespmem:$0x10000] =	vst v63  }
0x23: {  	p0 =	sge.u32 s31, s6  }
.Ltmp2:
0x24: {  	_ = 	snop;
	(pc) =	sbr.rel @p0 .LBB1_7-.Ltmp2, $1  }
0x25: {  	_ =	sdelay $0x3  }
0x26: {  	s0 =	sshll.u32 s9, $0x2;
	_ =	swait.ge [sflag:s4], $0x4000;
	s19 =	sshll.u32 s14, $0xE  }
0x27: {  	p0 =	por $0x0, $0x0;
	s25 =	simm.s32 $0x0;
	s26 =	simm.s32 $0x0  }
0x28: {  	s0 =	sand.u32 $0x10000, s0;
	[sflag:s4] =	ssyncset.done $0x0;
	s22 =	sand.u32 $0x4000, s19  }
0x29: {  	s0 =	sshrl.u32 s0, $0x2;
	[sflag:s4] =	ssyncadd.s32 $0xFFFFC000;
	s19 =	sor.u32 $0x8000, s22  }
0x2a: {  	s20 =	sor.u32 $0x40, s0;
	s21 =	sor.u32 $0x8410, s0;
	s23 =	sadd.s32 $0x8400, s0  }
.LBB1_3:
0x2b: {  	v1 =	vld [tilespmem:s20+$0xFFFFFFD0]  }
0x2c: {  	v2 =	vld [tilespmem:s20+$0x430]  }
0x2d: {  	s0 =	sshll.u32 s26, $0xB;
	v4 =	vld [tilespmem:s20+$0xFFFFFFE0]  }
0x2e: {  	v7 =	vld [tilespmem:s20+$0xFFFFFFF0];
	v0 =	vmov s0  }
0x2f: {  	v8 =	vld [tilespmem:s20+$0x0]  }
0x30: {  	v9 =	vld [tilespmem:s20+$0x10];
	s0 =	sand.u32 $0x300, s24  }
0x31: {  	s27 =	sand.u32 $0x80, s24;
	v10 =	vld [tilespmem:s20+$0x20];
	s0 =	sadd.s32 s0, s22  }
0x32: {  	v11 =	vld [tilespmem:s20+$0x30];
	s0 =	sadd.s32 s27, s0;
	s27 =	simm.s32 $0x1;
	[tilespmem:s21+$0x60] =	vst v2  }
0x33: {  	s27 =	simm.s32 @!p0 $0x0;
	[tilespmem:s21+$0xFFFFFC00] =	vst v1;
	v3 =	vld.idx.msk [tilespmem:v0+s0+$0x400 ss:$0x1], $0xffff;
	s0 =	sshll.u32 s25, $0x2  }
0x34: {  	v6 =	vld [tilespmem:s20+$0x3D0];
	s27 =	sshll.u32 s27, $0x9;
	[tilespmem:s21+$0xFFFFFC10] =	vst v4;
	s0 =	sand.u32 $0xFFFFFC00, s0  }
0x35: {  	v5 =	vld [tilespmem:s20+$0x3E0];
	[tilespmem:s21+$0xFFFFFC20] =	vst v7;
	s0 =	sor.u32 s27, s0  }
0x36: {  	[tilespmem:s21+$0xFFFFFC30] =	vst v8;
	v4 =	vld [tilespmem:s20+$0x400];
	s0 =	sshrl.u32 s0, $0x2  }
0x37: {  	[tilespmem:s21+$0xFFFFFC40] =	vst v9;
	v1 =	vld [tilespmem:s20+$0x410];
	s27 =	sadd.s32 s0, s23  }
0x38: {  	[tilespmem:s27+$0x0] =	vst v3;
	v3 =	vld [tilespmem:s20+$0x3F0]  }
0x39: {  	s31 =	simm.s32 $0x80;
	s30 =	simm.s32 $0x100;
	[tilespmem:s21+$0xFFFFFC50] =	vst v10;
	v2 =	vld [tilespmem:s20+$0x420]  }
0x3a: {  	s28 =	sadd.s32 $0x80, s20;
	s29 =	smov.u32 s21;
	v7 =	vld [tilespmem:s20+$0xFFFFFFC0];
	[tilespmem:s21+$0xFFFFFC60] =	vst v11;
	s0 =	sand.u32 $0x300, s31  }
.LBB1_4:
0x3b: {  	p1 =	sne.s32 s30, $0x380;
	v8 =	vld [tilespmem:s28+$0xFFFFFFD0];
	s31 =	sand.u32 $0x80, s31;
	s0 =	sadd.s32 s0, s22;
	[tilespmem:s29+$0x0] =	vst v6  }
0x3c: {  	s0 =	sadd.s32 s31, s0;
	v6 =	vld [tilespmem:s28+$0x430];
	[tilespmem:s29+$0x10] =	vst v5;
	s31 =	smov.u32 s30  }
0x3d: {  	v5 =	vld.idx.msk [tilespmem:v0+s0+$0x400 ss:$0x1], $0xffff;
	[tilespmem:s29+$0x20] =	vst v3  }
0x3e: {  	v3 =	vld [tilespmem:s28+$0xFFFFFFE0];
	[tilespmem:s29+$0x30] =	vst v4  }
0x3f: {  	v4 =	vld [tilespmem:s28+$0xFFFFFFF0];
	[tilespmem:s29+$0xFFFFFBF0] =	vst v7  }
0x40: {  	v7 =	vld [tilespmem:s28+$0x0];
	[tilespmem:s29+$0x40] =	vst v1  }
0x41: {  	v1 =	vld [tilespmem:s28+$0x10];
	[tilespmem:s29+$0x50] =	vst v2;
	s29 =	sadd.s32 $0x800, s29  }
0x42: {  	s27 =	sadd.s32 $0x800, s27;
	v2 =	vld [tilespmem:s28+$0x20];
	[tilespmem:s29+$0x60] =	vst v6  }
0x43: {  	v9 =	vld [tilespmem:s28+$0x30];
	[tilespmem:s27+$0x0] =	vst v5  }
0x44: {  	[tilespmem:s29+$0xFFFFFC00] =	vst v8;
	v6 =	vld [tilespmem:s28+$0x3D0]  }
0x45: {  	[tilespmem:s29+$0xFFFFFC10] =	vst v3;
	v5 =	vld [tilespmem:s28+$0x3E0]  }
.Ltmp3:
0x46: {  	[tilespmem:s29+$0xFFFFFC20] =	vst v4;
	v3 =	vld [tilespmem:s28+$0x3F0];
	(pc) =	sbr.rel @p1 .LBB1_4-.Ltmp3, $4  }
0x47: {  	[tilespmem:s29+$0xFFFFFC30] =	vst v7;
	v4 =	vld [tilespmem:s28+$0x400]  }
0x48: {  	[tilespmem:s29+$0xFFFFFC40] =	vst v1;
	v1 =	vld [tilespmem:s28+$0x410]  }
0x49: {  	[tilespmem:s29+$0xFFFFFC50] =	vst v2;
	v2 =	vld [tilespmem:s28+$0x420]  }
0x4a: {  	s30 =	sadd.s32 $0x80, s30;
	s0 =	sand.u32 $0x300, s31;
	v7 =	vld [tilespmem:s28+$0xFFFFFFC0];
	[tilespmem:s29+$0xFFFFFC60] =	vst v9;
	s28 =	sadd.s32 $0x80, s28  }
0x4b: {  	[tilespmem:s29+$0x0] =	vst v6  }
0x4c: {  	[tilespmem:s29+$0x10] =	vst v5  }
0x4d: {  	v49 =	vld [tilespmem:s28+$0x430];
	[tilespmem:s29+$0x20] =	vst v3  }
0x4e: {  	v50 =	vld [tilespmem:s28+$0xFFFFFFD0];
	[tilespmem:s29+$0x30] =	vst v4  }
0x4f: {  	v51 =	vld [tilespmem:s28+$0xFFFFFFE0];
	[tilespmem:s29+$0x40] =	vst v1  }
0x50: {  	v52 =	vld [tilespmem:s28+$0xFFFFFFF0];
	[tilespmem:s29+$0x50] =	vst v2  }
0x51: {  	s30 =	sand.u32 $0x80, s31;
	s31 =	sadd.s32 $0x800, s29;
	v53 =	vld [tilespmem:s28+$0x0];
	[tilespmem:s29+$0xFFFFFBF0] =	vst v7  }
0x52: {  	v54 =	vld [tilespmem:s28+$0x10];
	[tilespmem:s31+$0x60] =	vst v49  }
0x53: {  	v55 =	vld [tilespmem:s28+$0x20];
	[tilespmem:s31+$0xFFFFFC00] =	vst v50  }
0x54: {  	v56 =	vld [tilespmem:s28+$0x30];
	[tilespmem:s31+$0xFFFFFC10] =	vst v51  }
0x55: {  	v57 =	vld [tilespmem:s28+$0x3D0];
	[tilespmem:s31+$0xFFFFFC20] =	vst v52  }
0x56: {  	v58 =	vld [tilespmem:s28+$0x3E0];
	[tilespmem:s31+$0xFFFFFC30] =	vst v53  }
0x57: {  	v59 =	vld [tilespmem:s28+$0x3F0];
	[tilespmem:s31+$0xFFFFFC40] =	vst v54  }
0x58: {  	v60 =	vld [tilespmem:s28+$0x400];
	[tilespmem:s31+$0xFFFFFC50] =	vst v55  }
0x59: {  	v61 =	vld [tilespmem:s28+$0xFFFFFFC0];
	[tilespmem:s31+$0xFFFFFC60] =	vst v56  }
0x5a: {  	s0 =	sadd.s32 s0, s22;
	v62 =	vld [tilespmem:s28+$0x410];
	[tilespmem:s31+$0x0] =	vst v57  }
0x5b: {  	v63 =	vld [tilespmem:s28+$0x420];
	s26 =	sadd.s32 $0x1, s26;
	s0 =	sadd.s32 s30, s0;
	[tilespmem:s31+$0x10] =	vst v58  }
0x5c: {  	p1 =	sne.s32 s26, $0x8;
	v0 =	vld.idx.msk [tilespmem:v0+s0+$0x400 ss:$0x1], $0xffff;
	[tilespmem:s31+$0x20] =	vst v59  }
.Ltmp4:
0x5d: {  	[tilespmem:s31+$0x30] =	vst v60;
	(pc) =	sbr.rel @p1 .LBB1_3-.Ltmp4, $4  }
0x5e: {  	[tilespmem:s31+$0xFFFFFBF0] =	vst v61  }
0x5f: {  	[tilespmem:s31+$0x40] =	vst v62  }
0x60: {  	s27 =	sadd.s32 $0x800, s27;
	s20 =	sadd.s32 $0x800, s20;
	[tilespmem:s31+$0x50] =	vst v63  }
0x61: {  	s25 =	sadd.s32 $0x80, s25;
	p0 =	por !p0, !p0;
	s21 =	sadd.s32 $0x80, s21;
	[tilespmem:s27+$0x0] =	vst v0  }
0x62: {  	s0 =	sand.u32 $0x78, s15  }
0x63: {  	s20 =	sshll.u32 s18, $0x9;
	s21 =	sshll.u32 s15, $0x3;
	s27 =	sshll.u32 s18, $0x7  }
0x64: {  	s17 =	sshll.u32 s17, $0x12;
	s16 =	sshll.u32 s16, $0xF;
	s30 =	sand.u32 $0x7, s15  }
0x65: {  	s20 =	sand.u32 $0x3F000, s20;
	s21 =	sand.u32 $0x3FC00, s21;
	s28 =	sand.u32 $0x200, s27  }
0x66: {  	s18 =	sand.u32 $0x180, s27;
	s17 =	sadd.s32 s1, s17;
	s20 =	sadd.s32 s20, s21  }
.Ltmp5:
0x67: {  	s0 =	sor.u32 s18, s0;
	s20 =	sor.u32 s28, s20;
	(pc) =	sbr.rel .LBB1_7-.Ltmp5, $4  }
0x68: {  	s16 =	sadd.s32 s16, s17;
	s0 =	sshrl.u32 s0, $0x3;
	s29 =	sshrl.u32 s20, $0x3  }
0x69: {  	s15 =	sshll.u32 s30, $0x12;
	s0 =	sadd.s32 s0, s16;
	s31 =	sand.u32 $0x7FC0, s29  }
0x6a: {  	s15 =	sor.u32 $0x800, s15;
	s0 =	sadd.s32 s31, s0  }
0x6b: {  	[hbm4b:s0+s15] =	stream.strided.scatter [tilespmem:s19], [sflag:$0x2], $0x4000, s8, s15, $0x38;
	[tilespmem:$0x10000] =	vst v63  }
.LBB1_8:
0x6c: {  	_ =	sfence.sel $0x180000  }
0x6d: {  	s0 =	simm.s32 $0x1;
	[bflag:$0x0] =	sbarrier.arrive $0xFFFF  }
0x6e: {  	s31 =	simm.s32 $0x2;
	[sflag:s0] =	ssyncpa.u1 $0x1  }
0x6f: {  	[sflag:s31] =	ssyncpa.u1 $0x1  }
0x70: {  	_ =	strace $0x90000047  }
0x71: {  	[bflag:$0x2] =	sbarrier.arrive $0xFFFF  }
0x72: {  	p0 =	sne.s32 s3, $0x0;
	s0 =	rddreg [dreg:$0x2]  }
0x73: {  	s0 =	sadd.s32 @!p0 $0x100000, s0  }
0x74: {  	[sflag:s0] =	ssyncadd.tile.s32 @!p0 $0x1;
	_ =	shalt  }
.Lfunc_end1:
_tile_overlayer_lowered:
.L_overlay_start_2:
0x75: {  	(tag) =	ssettag $0x2  }
0x76: {  	s0 =	rddreg [dreg:$0x0];
	s2 =	stileid.u32  }
0x77: {  	s1 =	rddreg [dreg:$0x1];
	p0 =	sne.s32 s2, $0x0  }
0x78: {  	s3 =	rddreg [dreg:$0x2];
	[bflag:$0x3] =	sbarrier.arrive $0xFFFF;
	s2 =	simm.s32 @!p0 $0x1C01  }
0x79: {  	[timem:s3], [sflag:s2] =	dma.local @!p0 [hbm:s0], s1  }
0x7a: {  	s0 =	simm.s32 @!p0 $0x1  }
0x7b: {  	_ =	swait.ge @!p0 [sflag:s0], s1  }
0x7c: {  	s1 =	ssub.s32 @!p0 $0x0, s1;
	[sflag:s0] =	ssyncset.done @!p0 $0x0  }
0x7d: {  	[sflag:s0] =	ssyncadd.s32 @!p0 s1  }
0x7e: {  	[bflag:$0x3] =	sbarrier.arrive $0xFFFF  }
0x7f: {  	_ =	shalt  }

</sc_bundles>
